<compile_context>
chip_gen: v7x
topology: tpu7x:2x2x1
jax: 0.10.2.dev20260603
libtpu: 0.0.44.dev20260713+nightly
codegen_flags: <defaults>
</compile_context>

<pallas_src>
import functools

import jax
import jax.numpy as jnp
from jax import lax
from jax.experimental import pallas as pl
from jax.experimental.pallas import tpu as pltpu
from jax.experimental.pallas import tpu_sc as plsc

_NC = 2
_NS = 16
_NW = _NC * _NS
_CHUNK = 128
_NBUF = 5
_LAG = 3


@functools.lru_cache(maxsize=None)
def _make_gather(n_total: int, d: int):
    n_chunks = n_total // (_NW * _CHUNK)
    assert n_chunks % _NBUF == 0
    mesh = plsc.VectorSubcoreMesh(core_axis_name="c", subcore_axis_name="s")

    @functools.partial(
        pl.kernel,
        mesh=mesh,
        out_type=jax.ShapeDtypeStruct((_NW * n_chunks, _CHUNK, d),
                                      jnp.float32),
        scratch_types=[
            pltpu.VMEM((n_chunks, _CHUNK), jnp.int32),
            *[pltpu.VMEM((_CHUNK, d), jnp.float32) for _ in range(_NBUF)],
            *[pltpu.SemaphoreType.DMA for _ in range(2 * _NBUF)],
        ],
    )
    def k(idx_hbm, table_hbm, out_hbm, idx_v, *bufs_and_sems):
        bufs = bufs_and_sems[:_NBUF]
        gsem = bufs_and_sems[_NBUF:2 * _NBUF]
        psem = bufs_and_sems[2 * _NBUF:]
        wid = lax.axis_index("s") * _NC + lax.axis_index("c")
        t0 = wid * n_chunks
        pltpu.sync_copy(idx_hbm.at[wid], idx_v)

        def gather(j, bf):
            return pltpu.make_async_copy(
                table_hbm.at[idx_v.at[j]], bufs[bf], gsem[bf])

        def put(j, bf):
            return pltpu.make_async_copy(bufs[bf], out_hbm.at[t0 + j],
                                         psem[bf])

        for bf in range(_NBUF - _LAG):
            gather(bf, bf).start()

        def group(g, _):
            j0 = g * _NBUF
            for bf in range(_NBUF):
                j = j0 + bf
                gather(j, bf).wait()
                put(j, bf).start()
                bff = (bf - _LAG) % _NBUF
                @pl.when(j >= _LAG)
                def _():
                    put(j - _LAG, bff).wait()
                @pl.when(j + _NBUF - _LAG < n_chunks)
                def _():
                    gather(j + _NBUF - _LAG, bff).start()
            return 0

        lax.fori_loop(0, n_chunks // _NBUF, group, 0)
        for j in range(n_chunks - _LAG, n_chunks):
            put(j, j % _NBUF).wait()

    return k


def kernel(x, table):
    b, s = x.shape
    d = table.shape[1]
    n_total = b * s
    idx = jnp.swapaxes(x, 0, 1).astype(jnp.int32).reshape(
        _NW, n_total // (_NW * _CHUNK), _CHUNK)
    out = _make_gather(n_total, d)(idx, table)
    return jnp.swapaxes(out.reshape(s, b, d), 0, 1)

# --- scband reference (transcript-rebuilt; emitter-appended) ---
"""Pipeline reference for scband-tokenizer-26001732010408 (READ-ONLY COPY).

The authoritative reference and input builder live on the scoring server;
editing this copy changes nothing except your own understanding.
"""

import jax, jax.numpy as jnp
import numpy as np

VOCAB = 1000000
EMB = 128

def setup_inputs(seed: int = 0) -> dict:
    key = jax.random.key(seed)
    k_idx, k_tab = jax.random.split(key)
    x = jax.random.randint(k_idx, (4096, 50), 0, VOCAB, dtype=jnp.int64)
    table = jax.random.normal(k_tab, (VOCAB, EMB), dtype=jnp.float32)
    return {"x": x, "table": table}

def reference(x, table):
    # nn.Embedding forward: gather rows of the table by index
    return jnp.take(table, x, axis=0)

if __name__ == "__main__":
    import jax
    _d = setup_inputs()
    print(jax.jit(kernel)(*tuple(_d.values())))

</pallas_src>

<mosaic_0001>
#map = affine_map<(d0, d1) -> (0, 0, 0)>
#map1 = affine_map<(d0, d1) -> (0, 0)>
module attributes {stable_mosaic.version = 14 : i64} {
  func.func @k(%arg0: i32, %arg1: i32, %arg2: memref<32x50x128xi32, #tpu.memory_space<hbm>>, %arg3: memref<1000000x128xf32, #tpu.memory_space<hbm>>, %arg4: memref<1600x128x128xf32, #tpu.memory_space<hbm>>, %arg5: memref<50x128xi32, #tpu.memory_space<vmem>>, %arg6: memref<128x128xf32, #tpu.memory_space<vmem>>, %arg7: memref<128x128xf32, #tpu.memory_space<vmem>>, %arg8: memref<128x128xf32, #tpu.memory_space<vmem>>, %arg9: memref<128x128xf32, #tpu.memory_space<vmem>>, %arg10: memref<128x128xf32, #tpu.memory_space<vmem>>, %arg11: memref<!tpu.dma_semaphore, #tpu.memory_space<semaphore_mem>>, %arg12: memref<!tpu.dma_semaphore, #tpu.memory_space<semaphore_mem>>, %arg13: memref<!tpu.dma_semaphore, #tpu.memory_space<semaphore_mem>>, %arg14: memref<!tpu.dma_semaphore, #tpu.memory_space<semaphore_mem>>, %arg15: memref<!tpu.dma_semaphore, #tpu.memory_space<semaphore_mem>>, %arg16: memref<!tpu.dma_semaphore, #tpu.memory_space<semaphore_mem>>, %arg17: memref<!tpu.dma_semaphore, #tpu.memory_space<semaphore_mem>>, %arg18: memref<!tpu.dma_semaphore, #tpu.memory_space<semaphore_mem>>, %arg19: memref<!tpu.dma_semaphore, #tpu.memory_space<semaphore_mem>>, %arg20: memref<!tpu.dma_semaphore, #tpu.memory_space<semaphore_mem>>) attributes {dimension_semantics = [#tpu.dimension_semantics<core_parallel>, #tpu.dimension_semantics<subcore_parallel>], iteration_bounds = array<i64: 2, 16>, scalar_prefetch = 0 : i64, scratch_operands = 16 : i64, tpu.core_type = #tpu.core_type<sc_vector_subcore>, window_params = [{transform_indices = #map}, {transform_indices = #map1}, {transform_indices = #map}]} {
    %mul3A = arith.constant 2 : i32
    %mul3A_0 = arith.muli %arg1, %mul3A : i32
    %add3A = arith.addi %mul3A_0, %arg0 : i32
    %mul3A_1 = arith.constant 50 : i32
    %mul3A_2 = arith.muli %add3A, %mul3A_1 : i32
    "tpu.region"() ({
      %run_scoped3A = tpu.sem_alloc : memref<!tpu.dma_semaphore, #tpu.memory_space<semaphore_mem>>
      %dma_start3A_51 = arith.constant 0 : i32
      %dma_start3A_52 = arith.constant 0 : i32
      %dma_start3A_53 = tpu.memref_slice %arg2[%add3A, %dma_start3A_51, %dma_start3A_52] : memref<32x50x128xi32, #tpu.memory_space<hbm>> -> memref<1x50x128xi32, #tpu.memory_space<hbm>>
      %dma_start3A_54 = tpu.memref_squeeze %dma_start3A_53 : memref<1x50x128xi32, #tpu.memory_space<hbm>> -> memref<50x128xi32, #tpu.memory_space<hbm>>
      %dma_start3A_55 = arith.constant 0 : i32
      %dma_start3A_56 = arith.constant 0 : i32
      %dma_start3A_57 = tpu.memref_slice %arg2[%add3A, %dma_start3A_55, %dma_start3A_56] : memref<32x50x128xi32, #tpu.memory_space<hbm>> -> memref<1x50x128xi32, #tpu.memory_space<hbm>>
      %dma_start3A_58 = tpu.memref_squeeze %dma_start3A_57 : memref<1x50x128xi32, #tpu.memory_space<hbm>> -> memref<50x128xi32, #tpu.memory_space<hbm>>
      tpu.enqueue_dma source(%dma_start3A_58 : memref<50x128xi32, #tpu.memory_space<hbm>>) target(%arg5 : memref<50x128xi32, #tpu.memory_space<vmem>>) target_semaphore(%run_scoped3A : memref<!tpu.dma_semaphore, #tpu.memory_space<semaphore_mem>>)
      %dma_wait3A_59 = arith.constant 0 : i32
      %dma_wait3A_60 = arith.constant 0 : i32
      %dma_wait3A_61 = tpu.memref_slice %arg2[%add3A, %dma_wait3A_59, %dma_wait3A_60] : memref<32x50x128xi32, #tpu.memory_space<hbm>> -> memref<1x50x128xi32, #tpu.memory_space<hbm>>
      %dma_wait3A_62 = tpu.memref_squeeze %dma_wait3A_61 : memref<1x50x128xi32, #tpu.memory_space<hbm>> -> memref<50x128xi32, #tpu.memory_space<hbm>>
      %dma_wait3A_63 = arith.constant 0 : i32
      %dma_wait3A_64 = arith.constant 0 : i32
      %dma_wait3A_65 = tpu.memref_slice %arg2[%add3A, %dma_wait3A_63, %dma_wait3A_64] : memref<32x50x128xi32, #tpu.memory_space<hbm>> -> memref<1x50x128xi32, #tpu.memory_space<hbm>>
      %dma_wait3A_66 = tpu.memref_squeeze %dma_wait3A_65 : memref<1x50x128xi32, #tpu.memory_space<hbm>> -> memref<50x128xi32, #tpu.memory_space<hbm>>
      tpu.wait_dma2 semaphore(%run_scoped3A : memref<!tpu.dma_semaphore, #tpu.memory_space<semaphore_mem>>) src(%dma_wait3A_66 : memref<50x128xi32, #tpu.memory_space<hbm>>) dst(%arg5 : memref<50x128xi32, #tpu.memory_space<vmem>>)
      tpu.yield
    }) : () -> ()
    %dma_start3A = arith.constant 0 : i32
    %dma_start3A_3 = arith.constant 0 : i32
    %dma_start3A_4 = tpu.memref_slice %arg5[%dma_start3A, %dma_start3A_3] : memref<50x128xi32, #tpu.memory_space<vmem>> -> memref<1x128xi32, #tpu.memory_space<vmem>>
    %dma_start3A_5 = tpu.memref_squeeze %dma_start3A_4 : memref<1x128xi32, #tpu.memory_space<vmem>> -> memref<128xi32, #tpu.memory_space<vmem>>
    %dma_start3A_6 = arith.constant 0 : i32
    %dma_start3A_7 = arith.constant 0 : i32
    %dma_start3A_8 = tpu.memref_slice %arg3[%dma_start3A_6, %dma_start3A_7] : memref<1000000x128xf32, #tpu.memory_space<hbm>> -> memref<1000000x128xf32, #tpu.memory_space<hbm>>
    tpu.enqueue_indirect_dma source(%dma_start3A_8 : memref<1000000x128xf32, #tpu.memory_space<hbm>>) target(%arg6 : memref<128x128xf32, #tpu.memory_space<vmem>>) offsets(%dma_start3A_5 : memref<128xi32, #tpu.memory_space<vmem>>) semaphore(%arg11 : memref<!tpu.dma_semaphore, #tpu.memory_space<semaphore_mem>>)
    %dma_start3A_9 = arith.constant 1 : i32
    %dma_start3A_10 = arith.constant 0 : i32
    %dma_start3A_11 = tpu.memref_slice %arg5[%dma_start3A_9, %dma_start3A_10] : memref<50x128xi32, #tpu.memory_space<vmem>> -> memref<1x128xi32, #tpu.memory_space<vmem>>
    %dma_start3A_12 = tpu.memref_squeeze %dma_start3A_11 : memref<1x128xi32, #tpu.memory_space<vmem>> -> memref<128xi32, #tpu.memory_space<vmem>>
    %dma_start3A_13 = arith.constant 0 : i32
    %dma_start3A_14 = arith.constant 0 : i32
    %dma_start3A_15 = tpu.memref_slice %arg3[%dma_start3A_13, %dma_start3A_14] : memref<1000000x128xf32, #tpu.memory_space<hbm>> -> memref<1000000x128xf32, #tpu.memory_space<hbm>>
    tpu.enqueue_indirect_dma source(%dma_start3A_15 : memref<1000000x128xf32, #tpu.memory_space<hbm>>) target(%arg7 : memref<128x128xf32, #tpu.memory_space<vmem>>) offsets(%dma_start3A_12 : memref<128xi32, #tpu.memory_space<vmem>>) semaphore(%arg12 : memref<!tpu.dma_semaphore, #tpu.memory_space<semaphore_mem>>)
    %scan3A = arith.constant 0 : i32
    %scan3A_16 = arith.constant 0 : i32
    %scan3A_17 = arith.constant 10 : i32
    %scan3A_18 = arith.addi %scan3A_16, %scan3A_17 : i32
    %scan3A_19 = arith.constant 1 : i32
    %scan3A_20 = scf.for %scan3A_51 = %scan3A_16 to %scan3A_18 step %scan3A_19 iter_args(%scan3A_52 = %scan3A) -> (i32)  : i32 {
      %mul3A_53 = arith.constant 5 : i32
      %mul3A_54 = arith.muli %scan3A_51, %mul3A_53 : i32
      %add3A_55 = arith.constant 0 : i32
      %add3A_56 = arith.addi %mul3A_54, %add3A_55 : i32
      %dma_wait3A_57 = arith.constant 0 : i32
      %dma_wait3A_58 = tpu.memref_slice %arg5[%add3A_56, %dma_wait3A_57] : memref<50x128xi32, #tpu.memory_space<vmem>> -> memref<1x128xi32, #tpu.memory_space<vmem>>
      %dma_wait3A_59 = tpu.memref_squeeze %dma_wait3A_58 : memref<1x128xi32, #tpu.memory_space<vmem>> -> memref<128xi32, #tpu.memory_space<vmem>>
      %dma_wait3A_60 = arith.constant 0 : i32
      %dma_wait3A_61 = arith.constant 0 : i32
      %dma_wait3A_62 = tpu.memref_slice %arg3[%dma_wait3A_60, %dma_wait3A_61] : memref<1000000x128xf32, #tpu.memory_space<hbm>> -> memref<1000000x128xf32, #tpu.memory_space<hbm>>
      tpu.wait_indirect_dma semaphore(%arg11 : memref<!tpu.dma_semaphore, #tpu.memory_space<semaphore_mem>>) src(%dma_wait3A_62 : memref<1000000x128xf32, #tpu.memory_space<hbm>>) dst(%arg6 : memref<128x128xf32, #tpu.memory_space<vmem>>)
      %add3A_63 = arith.addi %mul3A_2, %add3A_56 : i32
      %dma_start3A_64 = arith.constant 0 : i32
      %dma_start3A_65 = arith.constant 0 : i32
      %dma_start3A_66 = tpu.memref_slice %arg4[%add3A_63, %dma_start3A_64, %dma_start3A_65] : memref<1600x128x128xf32, #tpu.memory_space<hbm>> -> memref<1x128x128xf32, #tpu.memory_space<hbm>>
      %dma_start3A_67 = tpu.memref_squeeze %dma_start3A_66 : memref<1x128x128xf32, #tpu.memory_space<hbm>> -> memref<128x128xf32, #tpu.memory_space<hbm>>
      %dma_start3A_68 = arith.constant 0 : i32
      %dma_start3A_69 = arith.constant 0 : i32
      %dma_start3A_70 = tpu.memref_slice %arg4[%add3A_63, %dma_start3A_68, %dma_start3A_69] : memref<1600x128x128xf32, #tpu.memory_space<hbm>> -> memref<1x128x128xf32, #tpu.memory_space<hbm>>
      %dma_start3A_71 = tpu.memref_squeeze %dma_start3A_70 : memref<1x128x128xf32, #tpu.memory_space<hbm>> -> memref<128x128xf32, #tpu.memory_space<hbm>>
      tpu.enqueue_dma source(%arg6 : memref<128x128xf32, #tpu.memory_space<vmem>>) target(%dma_start3A_71 : memref<128x128xf32, #tpu.memory_space<hbm>>) target_semaphore(%arg16 : memref<!tpu.dma_semaphore, #tpu.memory_space<semaphore_mem>>)
      %ge3A = arith.constant 3 : i32
      %ge3A_72 = arith.cmpi sge, %add3A_56, %ge3A : i32
      %convert_element_type3A = arith.extui %ge3A_72 : i1 to i32
      %cond3A = arith.constant 0 : i32
      %cond3A_73 = arith.cmpi ne, %convert_element_type3A, %cond3A : i32
      scf.if %cond3A_73 {
        %sub3A_206 = arith.constant 3 : i32
        %sub3A_207 = arith.subi %add3A_56, %sub3A_206 : i32
        %add3A_208 = arith.addi %mul3A_2, %sub3A_207 : i32
        %dma_wait3A_209 = arith.constant 0 : i32
        %dma_wait3A_210 = arith.constant 0 : i32
        %dma_wait3A_211 = tpu.memref_slice %arg4[%add3A_208, %dma_wait3A_209, %dma_wait3A_210] : memref<1600x128x128xf32, #tpu.memory_space<hbm>> -> memref<1x128x128xf32, #tpu.memory_space<hbm>>
        %dma_wait3A_212 = tpu.memref_squeeze %dma_wait3A_211 : memref<1x128x128xf32, #tpu.memory_space<hbm>> -> memref<128x128xf32, #tpu.memory_space<hbm>>
        %dma_wait3A_213 = arith.constant 0 : i32
        %dma_wait3A_214 = arith.constant 0 : i32
        %dma_wait3A_215 = tpu.memref_slice %arg4[%add3A_208, %dma_wait3A_213, %dma_wait3A_214] : memref<1600x128x128xf32, #tpu.memory_space<hbm>> -> memref<1x128x128xf32, #tpu.memory_space<hbm>>
        %dma_wait3A_216 = tpu.memref_squeeze %dma_wait3A_215 : memref<1x128x128xf32, #tpu.memory_space<hbm>> -> memref<128x128xf32, #tpu.memory_space<hbm>>
        tpu.wait_dma2 semaphore(%arg18 : memref<!tpu.dma_semaphore, #tpu.memory_space<semaphore_mem>>) src(%arg8 : memref<128x128xf32, #tpu.memory_space<vmem>>) dst(%dma_wait3A_216 : memref<128x128xf32, #tpu.memory_space<hbm>>)
      } else {
      }
      %add3A_74 = arith.constant 5 : i32
      %add3A_75 = arith.addi %add3A_56, %add3A_74 : i32
      %sub3A = arith.constant 3 : i32
      %sub3A_76 = arith.subi %add3A_75, %sub3A : i32
      %lt3A = arith.constant 50 : i32
      %lt3A_77 = arith.cmpi slt, %sub3A_76, %lt3A : i32
      %convert_element_type3A_78 = arith.extui %lt3A_77 : i1 to i32
      %cond3A_79 = arith.constant 0 : i32
      %cond3A_80 = arith.cmpi ne, %convert_element_type3A_78, %cond3A_79 : i32
      scf.if %cond3A_80 {
        %add3A_206 = arith.constant 5 : i32
        %add3A_207 = arith.addi %add3A_56, %add3A_206 : i32
        %sub3A_208 = arith.constant 3 : i32
        %sub3A_209 = arith.subi %add3A_207, %sub3A_208 : i32
        %dma_start3A_210 = arith.constant 0 : i32
        %dma_start3A_211 = tpu.memref_slice %arg5[%sub3A_209, %dma_start3A_210] : memref<50x128xi32, #tpu.memory_space<vmem>> -> memref<1x128xi32, #tpu.memory_space<vmem>>
        %dma_start3A_212 = tpu.memref_squeeze %dma_start3A_211 : memref<1x128xi32, #tpu.memory_space<vmem>> -> memref<128xi32, #tpu.memory_space<vmem>>
        %dma_start3A_213 = arith.constant 0 : i32
        %dma_start3A_214 = arith.constant 0 : i32
        %dma_start3A_215 = tpu.memref_slice %arg3[%dma_start3A_213, %dma_start3A_214] : memref<1000000x128xf32, #tpu.memory_space<hbm>> -> memref<1000000x128xf32, #tpu.memory_space<hbm>>
        tpu.enqueue_indirect_dma source(%dma_start3A_215 : memref<1000000x128xf32, #tpu.memory_space<hbm>>) target(%arg8 : memref<128x128xf32, #tpu.memory_space<vmem>>) offsets(%dma_start3A_212 : memref<128xi32, #tpu.memory_space<vmem>>) semaphore(%arg13 : memref<!tpu.dma_semaphore, #tpu.memory_space<semaphore_mem>>)
      } else {
      }
      %add3A_81 = arith.constant 1 : i32
      %add3A_82 = arith.addi %mul3A_54, %add3A_81 : i32
      %dma_wait3A_83 = arith.constant 0 : i32
      %dma_wait3A_84 = tpu.memref_slice %arg5[%add3A_82, %dma_wait3A_83] : memref<50x128xi32, #tpu.memory_space<vmem>> -> memref<1x128xi32, #tpu.memory_space<vmem>>
      %dma_wait3A_85 = tpu.memref_squeeze %dma_wait3A_84 : memref<1x128xi32, #tpu.memory_space<vmem>> -> memref<128xi32, #tpu.memory_space<vmem>>
      %dma_wait3A_86 = arith.constant 0 : i32
      %dma_wait3A_87 = arith.constant 0 : i32
      %dma_wait3A_88 = tpu.memref_slice %arg3[%dma_wait3A_86, %dma_wait3A_87] : memref<1000000x128xf32, #tpu.memory_space<hbm>> -> memref<1000000x128xf32, #tpu.memory_space<hbm>>
      tpu.wait_indirect_dma semaphore(%arg12 : memref<!tpu.dma_semaphore, #tpu.memory_space<semaphore_mem>>) src(%dma_wait3A_88 : memref<1000000x128xf32, #tpu.memory_space<hbm>>) dst(%arg7 : memref<128x128xf32, #tpu.memory_space<vmem>>)
      %add3A_89 = arith.addi %mul3A_2, %add3A_82 : i32
      %dma_start3A_90 = arith.constant 0 : i32
      %dma_start3A_91 = arith.constant 0 : i32
      %dma_start3A_92 = tpu.memref_slice %arg4[%add3A_89, %dma_start3A_90, %dma_start3A_91] : memref<1600x128x128xf32, #tpu.memory_space<hbm>> -> memref<1x128x128xf32, #tpu.memory_space<hbm>>
      %dma_start3A_93 = tpu.memref_squeeze %dma_start3A_92 : memref<1x128x128xf32, #tpu.memory_space<hbm>> -> memref<128x128xf32, #tpu.memory_space<hbm>>
      %dma_start3A_94 = arith.constant 0 : i32
      %dma_start3A_95 = arith.constant 0 : i32
      %dma_start3A_96 = tpu.memref_slice %arg4[%add3A_89, %dma_start3A_94, %dma_start3A_95] : memref<1600x128x128xf32, #tpu.memory_space<hbm>> -> memref<1x128x128xf32, #tpu.memory_space<hbm>>
      %dma_start3A_97 = tpu.memref_squeeze %dma_start3A_96 : memref<1x128x128xf32, #tpu.memory_space<hbm>> -> memref<128x128xf32, #tpu.memory_space<hbm>>
      tpu.enqueue_dma source(%arg7 : memref<128x128xf32, #tpu.memory_space<vmem>>) target(%dma_start3A_97 : memref<128x128xf32, #tpu.memory_space<hbm>>) target_semaphore(%arg17 : memref<!tpu.dma_semaphore, #tpu.memory_space<semaphore_mem>>)
      %ge3A_98 = arith.constant 3 : i32
      %ge3A_99 = arith.cmpi sge, %add3A_82, %ge3A_98 : i32
      %convert_element_type3A_100 = arith.extui %ge3A_99 : i1 to i32
      %cond3A_101 = arith.constant 0 : i32
      %cond3A_102 = arith.cmpi ne, %convert_element_type3A_100, %cond3A_101 : i32
      scf.if %cond3A_102 {
        %sub3A_206 = arith.constant 3 : i32
        %sub3A_207 = arith.subi %add3A_82, %sub3A_206 : i32
        %add3A_208 = arith.addi %mul3A_2, %sub3A_207 : i32
        %dma_wait3A_209 = arith.constant 0 : i32
        %dma_wait3A_210 = arith.constant 0 : i32
        %dma_wait3A_211 = tpu.memref_slice %arg4[%add3A_208, %dma_wait3A_209, %dma_wait3A_210] : memref<1600x128x128xf32, #tpu.memory_space<hbm>> -> memref<1x128x128xf32, #tpu.memory_space<hbm>>
        %dma_wait3A_212 = tpu.memref_squeeze %dma_wait3A_211 : memref<1x128x128xf32, #tpu.memory_space<hbm>> -> memref<128x128xf32, #tpu.memory_space<hbm>>
        %dma_wait3A_213 = arith.constant 0 : i32
        %dma_wait3A_214 = arith.constant 0 : i32
        %dma_wait3A_215 = tpu.memref_slice %arg4[%add3A_208, %dma_wait3A_213, %dma_wait3A_214] : memref<1600x128x128xf32, #tpu.memory_space<hbm>> -> memref<1x128x128xf32, #tpu.memory_space<hbm>>
        %dma_wait3A_216 = tpu.memref_squeeze %dma_wait3A_215 : memref<1x128x128xf32, #tpu.memory_space<hbm>> -> memref<128x128xf32, #tpu.memory_space<hbm>>
        tpu.wait_dma2 semaphore(%arg19 : memref<!tpu.dma_semaphore, #tpu.memory_space<semaphore_mem>>) src(%arg9 : memref<128x128xf32, #tpu.memory_space<vmem>>) dst(%dma_wait3A_216 : memref<128x128xf32, #tpu.memory_space<hbm>>)
      } else {
      }
      %add3A_103 = arith.constant 5 : i32
      %add3A_104 = arith.addi %add3A_82, %add3A_103 : i32
      %sub3A_105 = arith.constant 3 : i32
      %sub3A_106 = arith.subi %add3A_104, %sub3A_105 : i32
      %lt3A_107 = arith.constant 50 : i32
      %lt3A_108 = arith.cmpi slt, %sub3A_106, %lt3A_107 : i32
      %convert_element_type3A_109 = arith.extui %lt3A_108 : i1 to i32
      %cond3A_110 = arith.constant 0 : i32
      %cond3A_111 = arith.cmpi ne, %convert_element_type3A_109, %cond3A_110 : i32
      scf.if %cond3A_111 {
        %add3A_206 = arith.constant 5 : i32
        %add3A_207 = arith.addi %add3A_82, %add3A_206 : i32
        %sub3A_208 = arith.constant 3 : i32
        %sub3A_209 = arith.subi %add3A_207, %sub3A_208 : i32
        %dma_start3A_210 = arith.constant 0 : i32
        %dma_start3A_211 = tpu.memref_slice %arg5[%sub3A_209, %dma_start3A_210] : memref<50x128xi32, #tpu.memory_space<vmem>> -> memref<1x128xi32, #tpu.memory_space<vmem>>
        %dma_start3A_212 = tpu.memref_squeeze %dma_start3A_211 : memref<1x128xi32, #tpu.memory_space<vmem>> -> memref<128xi32, #tpu.memory_space<vmem>>
        %dma_start3A_213 = arith.constant 0 : i32
        %dma_start3A_214 = arith.constant 0 : i32
        %dma_start3A_215 = tpu.memref_slice %arg3[%dma_start3A_213, %dma_start3A_214] : memref<1000000x128xf32, #tpu.memory_space<hbm>> -> memref<1000000x128xf32, #tpu.memory_space<hbm>>
        tpu.enqueue_indirect_dma source(%dma_start3A_215 : memref<1000000x128xf32, #tpu.memory_space<hbm>>) target(%arg9 : memref<128x128xf32, #tpu.memory_space<vmem>>) offsets(%dma_start3A_212 : memref<128xi32, #tpu.memory_space<vmem>>) semaphore(%arg14 : memref<!tpu.dma_semaphore, #tpu.memory_space<semaphore_mem>>)
      } else {
      }
      %add3A_112 = arith.constant 2 : i32
      %add3A_113 = arith.addi %mul3A_54, %add3A_112 : i32
      %dma_wait3A_114 = arith.constant 0 : i32
      %dma_wait3A_115 = tpu.memref_slice %arg5[%add3A_113, %dma_wait3A_114] : memref<50x128xi32, #tpu.memory_space<vmem>> -> memref<1x128xi32, #tpu.memory_space<vmem>>
      %dma_wait3A_116 = tpu.memref_squeeze %dma_wait3A_115 : memref<1x128xi32, #tpu.memory_space<vmem>> -> memref<128xi32, #tpu.memory_space<vmem>>
      %dma_wait3A_117 = arith.constant 0 : i32
      %dma_wait3A_118 = arith.constant 0 : i32
      %dma_wait3A_119 = tpu.memref_slice %arg3[%dma_wait3A_117, %dma_wait3A_118] : memref<1000000x128xf32, #tpu.memory_space<hbm>> -> memref<1000000x128xf32, #tpu.memory_space<hbm>>
      tpu.wait_indirect_dma semaphore(%arg13 : memref<!tpu.dma_semaphore, #tpu.memory_space<semaphore_mem>>) src(%dma_wait3A_119 : memref<1000000x128xf32, #tpu.memory_space<hbm>>) dst(%arg8 : memref<128x128xf32, #tpu.memory_space<vmem>>)
      %add3A_120 = arith.addi %mul3A_2, %add3A_113 : i32
      %dma_start3A_121 = arith.constant 0 : i32
      %dma_start3A_122 = arith.constant 0 : i32
      %dma_start3A_123 = tpu.memref_slice %arg4[%add3A_120, %dma_start3A_121, %dma_start3A_122] : memref<1600x128x128xf32, #tpu.memory_space<hbm>> -> memref<1x128x128xf32, #tpu.memory_space<hbm>>
      %dma_start3A_124 = tpu.memref_squeeze %dma_start3A_123 : memref<1x128x128xf32, #tpu.memory_space<hbm>> -> memref<128x128xf32, #tpu.memory_space<hbm>>
      %dma_start3A_125 = arith.constant 0 : i32
      %dma_start3A_126 = arith.constant 0 : i32
      %dma_start3A_127 = tpu.memref_slice %arg4[%add3A_120, %dma_start3A_125, %dma_start3A_126] : memref<1600x128x128xf32, #tpu.memory_space<hbm>> -> memref<1x128x128xf32, #tpu.memory_space<hbm>>
      %dma_start3A_128 = tpu.memref_squeeze %dma_start3A_127 : memref<1x128x128xf32, #tpu.memory_space<hbm>> -> memref<128x128xf32, #tpu.memory_space<hbm>>
      tpu.enqueue_dma source(%arg8 : memref<128x128xf32, #tpu.memory_space<vmem>>) target(%dma_start3A_128 : memref<128x128xf32, #tpu.memory_space<hbm>>) target_semaphore(%arg18 : memref<!tpu.dma_semaphore, #tpu.memory_space<semaphore_mem>>)
      %ge3A_129 = arith.constant 3 : i32
      %ge3A_130 = arith.cmpi sge, %add3A_113, %ge3A_129 : i32
      %convert_element_type3A_131 = arith.extui %ge3A_130 : i1 to i32
      %cond3A_132 = arith.constant 0 : i32
      %cond3A_133 = arith.cmpi ne, %convert_element_type3A_131, %cond3A_132 : i32
      scf.if %cond3A_133 {
        %sub3A_206 = arith.constant 3 : i32
        %sub3A_207 = arith.subi %add3A_113, %sub3A_206 : i32
        %add3A_208 = arith.addi %mul3A_2, %sub3A_207 : i32
        %dma_wait3A_209 = arith.constant 0 : i32
        %dma_wait3A_210 = arith.constant 0 : i32
        %dma_wait3A_211 = tpu.memref_slice %arg4[%add3A_208, %dma_wait3A_209, %dma_wait3A_210] : memref<1600x128x128xf32, #tpu.memory_space<hbm>> -> memref<1x128x128xf32, #tpu.memory_space<hbm>>
        %dma_wait3A_212 = tpu.memref_squeeze %dma_wait3A_211 : memref<1x128x128xf32, #tpu.memory_space<hbm>> -> memref<128x128xf32, #tpu.memory_space<hbm>>
        %dma_wait3A_213 = arith.constant 0 : i32
        %dma_wait3A_214 = arith.constant 0 : i32
        %dma_wait3A_215 = tpu.memref_slice %arg4[%add3A_208, %dma_wait3A_213, %dma_wait3A_214] : memref<1600x128x128xf32, #tpu.memory_space<hbm>> -> memref<1x128x128xf32, #tpu.memory_space<hbm>>
        %dma_wait3A_216 = tpu.memref_squeeze %dma_wait3A_215 : memref<1x128x128xf32, #tpu.memory_space<hbm>> -> memref<128x128xf32, #tpu.memory_space<hbm>>
        tpu.wait_dma2 semaphore(%arg20 : memref<!tpu.dma_semaphore, #tpu.memory_space<semaphore_mem>>) src(%arg10 : memref<128x128xf32, #tpu.memory_space<vmem>>) dst(%dma_wait3A_216 : memref<128x128xf32, #tpu.memory_space<hbm>>)
      } else {
      }
      %add3A_134 = arith.constant 5 : i32
      %add3A_135 = arith.addi %add3A_113, %add3A_134 : i32
      %sub3A_136 = arith.constant 3 : i32
      %sub3A_137 = arith.subi %add3A_135, %sub3A_136 : i32
      %lt3A_138 = arith.constant 50 : i32
      %lt3A_139 = arith.cmpi slt, %sub3A_137, %lt3A_138 : i32
      %convert_element_type3A_140 = arith.extui %lt3A_139 : i1 to i32
      %cond3A_141 = arith.constant 0 : i32
      %cond3A_142 = arith.cmpi ne, %convert_element_type3A_140, %cond3A_141 : i32
      scf.if %cond3A_142 {
        %add3A_206 = arith.constant 5 : i32
        %add3A_207 = arith.addi %add3A_113, %add3A_206 : i32
        %sub3A_208 = arith.constant 3 : i32
        %sub3A_209 = arith.subi %add3A_207, %sub3A_208 : i32
        %dma_start3A_210 = arith.constant 0 : i32
        %dma_start3A_211 = tpu.memref_slice %arg5[%sub3A_209, %dma_start3A_210] : memref<50x128xi32, #tpu.memory_space<vmem>> -> memref<1x128xi32, #tpu.memory_space<vmem>>
        %dma_start3A_212 = tpu.memref_squeeze %dma_start3A_211 : memref<1x128xi32, #tpu.memory_space<vmem>> -> memref<128xi32, #tpu.memory_space<vmem>>
        %dma_start3A_213 = arith.constant 0 : i32
        %dma_start3A_214 = arith.constant 0 : i32
        %dma_start3A_215 = tpu.memref_slice %arg3[%dma_start3A_213, %dma_start3A_214] : memref<1000000x128xf32, #tpu.memory_space<hbm>> -> memref<1000000x128xf32, #tpu.memory_space<hbm>>
        tpu.enqueue_indirect_dma source(%dma_start3A_215 : memref<1000000x128xf32, #tpu.memory_space<hbm>>) target(%arg10 : memref<128x128xf32, #tpu.memory_space<vmem>>) offsets(%dma_start3A_212 : memref<128xi32, #tpu.memory_space<vmem>>) semaphore(%arg15 : memref<!tpu.dma_semaphore, #tpu.memory_space<semaphore_mem>>)
      } else {
      }
      %add3A_143 = arith.constant 3 : i32
      %add3A_144 = arith.addi %mul3A_54, %add3A_143 : i32
      %dma_wait3A_145 = arith.constant 0 : i32
      %dma_wait3A_146 = tpu.memref_slice %arg5[%add3A_144, %dma_wait3A_145] : memref<50x128xi32, #tpu.memory_space<vmem>> -> memref<1x128xi32, #tpu.memory_space<vmem>>
      %dma_wait3A_147 = tpu.memref_squeeze %dma_wait3A_146 : memref<1x128xi32, #tpu.memory_space<vmem>> -> memref<128xi32, #tpu.memory_space<vmem>>
      %dma_wait3A_148 = arith.constant 0 : i32
      %dma_wait3A_149 = arith.constant 0 : i32
      %dma_wait3A_150 = tpu.memref_slice %arg3[%dma_wait3A_148, %dma_wait3A_149] : memref<1000000x128xf32, #tpu.memory_space<hbm>> -> memref<1000000x128xf32, #tpu.memory_space<hbm>>
      tpu.wait_indirect_dma semaphore(%arg14 : memref<!tpu.dma_semaphore, #tpu.memory_space<semaphore_mem>>) src(%dma_wait3A_150 : memref<1000000x128xf32, #tpu.memory_space<hbm>>) dst(%arg9 : memref<128x128xf32, #tpu.memory_space<vmem>>)
      %add3A_151 = arith.addi %mul3A_2, %add3A_144 : i32
      %dma_start3A_152 = arith.constant 0 : i32
      %dma_start3A_153 = arith.constant 0 : i32
      %dma_start3A_154 = tpu.memref_slice %arg4[%add3A_151, %dma_start3A_152, %dma_start3A_153] : memref<1600x128x128xf32, #tpu.memory_space<hbm>> -> memref<1x128x128xf32, #tpu.memory_space<hbm>>
      %dma_start3A_155 = tpu.memref_squeeze %dma_start3A_154 : memref<1x128x128xf32, #tpu.memory_space<hbm>> -> memref<128x128xf32, #tpu.memory_space<hbm>>
      %dma_start3A_156 = arith.constant 0 : i32
      %dma_start3A_157 = arith.constant 0 : i32
      %dma_start3A_158 = tpu.memref_slice %arg4[%add3A_151, %dma_start3A_156, %dma_start3A_157] : memref<1600x128x128xf32, #tpu.memory_space<hbm>> -> memref<1x128x128xf32, #tpu.memory_space<hbm>>
      %dma_start3A_159 = tpu.memref_squeeze %dma_start3A_158 : memref<1x128x128xf32, #tpu.memory_space<hbm>> -> memref<128x128xf32, #tpu.memory_space<hbm>>
      tpu.enqueue_dma source(%arg9 : memref<128x128xf32, #tpu.memory_space<vmem>>) target(%dma_start3A_159 : memref<128x128xf32, #tpu.memory_space<hbm>>) target_semaphore(%arg19 : memref<!tpu.dma_semaphore, #tpu.memory_space<semaphore_mem>>)
      %ge3A_160 = arith.constant 3 : i32
      %ge3A_161 = arith.cmpi sge, %add3A_144, %ge3A_160 : i32
      %convert_element_type3A_162 = arith.extui %ge3A_161 : i1 to i32
      %cond3A_163 = arith.constant 0 : i32
      %cond3A_164 = arith.cmpi ne, %convert_element_type3A_162, %cond3A_163 : i32
      scf.if %cond3A_164 {
        %sub3A_206 = arith.constant 3 : i32
        %sub3A_207 = arith.subi %add3A_144, %sub3A_206 : i32
        %add3A_208 = arith.addi %mul3A_2, %sub3A_207 : i32
        %dma_wait3A_209 = arith.constant 0 : i32
        %dma_wait3A_210 = arith.constant 0 : i32
        %dma_wait3A_211 = tpu.memref_slice %arg4[%add3A_208, %dma_wait3A_209, %dma_wait3A_210] : memref<1600x128x128xf32, #tpu.memory_space<hbm>> -> memref<1x128x128xf32, #tpu.memory_space<hbm>>
        %dma_wait3A_212 = tpu.memref_squeeze %dma_wait3A_211 : memref<1x128x128xf32, #tpu.memory_space<hbm>> -> memref<128x128xf32, #tpu.memory_space<hbm>>
        %dma_wait3A_213 = arith.constant 0 : i32
        %dma_wait3A_214 = arith.constant 0 : i32
        %dma_wait3A_215 = tpu.memref_slice %arg4[%add3A_208, %dma_wait3A_213, %dma_wait3A_214] : memref<1600x128x128xf32, #tpu.memory_space<hbm>> -> memref<1x128x128xf32, #tpu.memory_space<hbm>>
        %dma_wait3A_216 = tpu.memref_squeeze %dma_wait3A_215 : memref<1x128x128xf32, #tpu.memory_space<hbm>> -> memref<128x128xf32, #tpu.memory_space<hbm>>
        tpu.wait_dma2 semaphore(%arg16 : memref<!tpu.dma_semaphore, #tpu.memory_space<semaphore_mem>>) src(%arg6 : memref<128x128xf32, #tpu.memory_space<vmem>>) dst(%dma_wait3A_216 : memref<128x128xf32, #tpu.memory_space<hbm>>)
      } else {
      }
      %add3A_165 = arith.constant 5 : i32
      %add3A_166 = arith.addi %add3A_144, %add3A_165 : i32
      %sub3A_167 = arith.constant 3 : i32
      %sub3A_168 = arith.subi %add3A_166, %sub3A_167 : i32
      %lt3A_169 = arith.constant 50 : i32
      %lt3A_170 = arith.cmpi slt, %sub3A_168, %lt3A_169 : i32
      %convert_element_type3A_171 = arith.extui %lt3A_170 : i1 to i32
      %cond3A_172 = arith.constant 0 : i32
      %cond3A_173 = arith.cmpi ne, %convert_element_type3A_171, %cond3A_172 : i32
      scf.if %cond3A_173 {
        %add3A_206 = arith.constant 5 : i32
        %add3A_207 = arith.addi %add3A_144, %add3A_206 : i32
        %sub3A_208 = arith.constant 3 : i32
        %sub3A_209 = arith.subi %add3A_207, %sub3A_208 : i32
        %dma_start3A_210 = arith.constant 0 : i32
        %dma_start3A_211 = tpu.memref_slice %arg5[%sub3A_209, %dma_start3A_210] : memref<50x128xi32, #tpu.memory_space<vmem>> -> memref<1x128xi32, #tpu.memory_space<vmem>>
        %dma_start3A_212 = tpu.memref_squeeze %dma_start3A_211 : memref<1x128xi32, #tpu.memory_space<vmem>> -> memref<128xi32, #tpu.memory_space<vmem>>
        %dma_start3A_213 = arith.constant 0 : i32
        %dma_start3A_214 = arith.constant 0 : i32
        %dma_start3A_215 = tpu.memref_slice %arg3[%dma_start3A_213, %dma_start3A_214] : memref<1000000x128xf32, #tpu.memory_space<hbm>> -> memref<1000000x128xf32, #tpu.memory_space<hbm>>
        tpu.enqueue_indirect_dma source(%dma_start3A_215 : memref<1000000x128xf32, #tpu.memory_space<hbm>>) target(%arg6 : memref<128x128xf32, #tpu.memory_space<vmem>>) offsets(%dma_start3A_212 : memref<128xi32, #tpu.memory_space<vmem>>) semaphore(%arg11 : memref<!tpu.dma_semaphore, #tpu.memory_space<semaphore_mem>>)
      } else {
      }
      %add3A_174 = arith.constant 4 : i32
      %add3A_175 = arith.addi %mul3A_54, %add3A_174 : i32
      %dma_wait3A_176 = arith.constant 0 : i32
      %dma_wait3A_177 = tpu.memref_slice %arg5[%add3A_175, %dma_wait3A_176] : memref<50x128xi32, #tpu.memory_space<vmem>> -> memref<1x128xi32, #tpu.memory_space<vmem>>
      %dma_wait3A_178 = tpu.memref_squeeze %dma_wait3A_177 : memref<1x128xi32, #tpu.memory_space<vmem>> -> memref<128xi32, #tpu.memory_space<vmem>>
      %dma_wait3A_179 = arith.constant 0 : i32
      %dma_wait3A_180 = arith.constant 0 : i32
      %dma_wait3A_181 = tpu.memref_slice %arg3[%dma_wait3A_179, %dma_wait3A_180] : memref<1000000x128xf32, #tpu.memory_space<hbm>> -> memref<1000000x128xf32, #tpu.memory_space<hbm>>
      tpu.wait_indirect_dma semaphore(%arg15 : memref<!tpu.dma_semaphore, #tpu.memory_space<semaphore_mem>>) src(%dma_wait3A_181 : memref<1000000x128xf32, #tpu.memory_space<hbm>>) dst(%arg10 : memref<128x128xf32, #tpu.memory_space<vmem>>)
      %add3A_182 = arith.addi %mul3A_2, %add3A_175 : i32
      %dma_start3A_183 = arith.constant 0 : i32
      %dma_start3A_184 = arith.constant 0 : i32
      %dma_start3A_185 = tpu.memref_slice %arg4[%add3A_182, %dma_start3A_183, %dma_start3A_184] : memref<1600x128x128xf32, #tpu.memory_space<hbm>> -> memref<1x128x128xf32, #tpu.memory_space<hbm>>
      %dma_start3A_186 = tpu.memref_squeeze %dma_start3A_185 : memref<1x128x128xf32, #tpu.memory_space<hbm>> -> memref<128x128xf32, #tpu.memory_space<hbm>>
      %dma_start3A_187 = arith.constant 0 : i32
      %dma_start3A_188 = arith.constant 0 : i32
      %dma_start3A_189 = tpu.memref_slice %arg4[%add3A_182, %dma_start3A_187, %dma_start3A_188] : memref<1600x128x128xf32, #tpu.memory_space<hbm>> -> memref<1x128x128xf32, #tpu.memory_space<hbm>>
      %dma_start3A_190 = tpu.memref_squeeze %dma_start3A_189 : memref<1x128x128xf32, #tpu.memory_space<hbm>> -> memref<128x128xf32, #tpu.memory_space<hbm>>
      tpu.enqueue_dma source(%arg10 : memref<128x128xf32, #tpu.memory_space<vmem>>) target(%dma_start3A_190 : memref<128x128xf32, #tpu.memory_space<hbm>>) target_semaphore(%arg20 : memref<!tpu.dma_semaphore, #tpu.memory_space<semaphore_mem>>)
      %ge3A_191 = arith.constant 3 : i32
      %ge3A_192 = arith.cmpi sge, %add3A_175, %ge3A_191 : i32
      %convert_element_type3A_193 = arith.extui %ge3A_192 : i1 to i32
      %cond3A_194 = arith.constant 0 : i32
      %cond3A_195 = arith.cmpi ne, %convert_element_type3A_193, %cond3A_194 : i32
      scf.if %cond3A_195 {
        %sub3A_206 = arith.constant 3 : i32
        %sub3A_207 = arith.subi %add3A_175, %sub3A_206 : i32
        %add3A_208 = arith.addi %mul3A_2, %sub3A_207 : i32
        %dma_wait3A_209 = arith.constant 0 : i32
        %dma_wait3A_210 = arith.constant 0 : i32
        %dma_wait3A_211 = tpu.memref_slice %arg4[%add3A_208, %dma_wait3A_209, %dma_wait3A_210] : memref<1600x128x128xf32, #tpu.memory_space<hbm>> -> memref<1x128x128xf32, #tpu.memory_space<hbm>>
        %dma_wait3A_212 = tpu.memref_squeeze %dma_wait3A_211 : memref<1x128x128xf32, #tpu.memory_space<hbm>> -> memref<128x128xf32, #tpu.memory_space<hbm>>
        %dma_wait3A_213 = arith.constant 0 : i32
        %dma_wait3A_214 = arith.constant 0 : i32
        %dma_wait3A_215 = tpu.memref_slice %arg4[%add3A_208, %dma_wait3A_213, %dma_wait3A_214] : memref<1600x128x128xf32, #tpu.memory_space<hbm>> -> memref<1x128x128xf32, #tpu.memory_space<hbm>>
        %dma_wait3A_216 = tpu.memref_squeeze %dma_wait3A_215 : memref<1x128x128xf32, #tpu.memory_space<hbm>> -> memref<128x128xf32, #tpu.memory_space<hbm>>
        tpu.wait_dma2 semaphore(%arg17 : memref<!tpu.dma_semaphore, #tpu.memory_space<semaphore_mem>>) src(%arg7 : memref<128x128xf32, #tpu.memory_space<vmem>>) dst(%dma_wait3A_216 : memref<128x128xf32, #tpu.memory_space<hbm>>)
      } else {
      }
      %add3A_196 = arith.constant 5 : i32
      %add3A_197 = arith.addi %add3A_175, %add3A_196 : i32
      %sub3A_198 = arith.constant 3 : i32
      %sub3A_199 = arith.subi %add3A_197, %sub3A_198 : i32
      %lt3A_200 = arith.constant 50 : i32
      %lt3A_201 = arith.cmpi slt, %sub3A_199, %lt3A_200 : i32
      %convert_element_type3A_202 = arith.extui %lt3A_201 : i1 to i32
      %cond3A_203 = arith.constant 0 : i32
      %cond3A_204 = arith.cmpi ne, %convert_element_type3A_202, %cond3A_203 : i32
      scf.if %cond3A_204 {
        %add3A_206 = arith.constant 5 : i32
        %add3A_207 = arith.addi %add3A_175, %add3A_206 : i32
        %sub3A_208 = arith.constant 3 : i32
        %sub3A_209 = arith.subi %add3A_207, %sub3A_208 : i32
        %dma_start3A_210 = arith.constant 0 : i32
        %dma_start3A_211 = tpu.memref_slice %arg5[%sub3A_209, %dma_start3A_210] : memref<50x128xi32, #tpu.memory_space<vmem>> -> memref<1x128xi32, #tpu.memory_space<vmem>>
        %dma_start3A_212 = tpu.memref_squeeze %dma_start3A_211 : memref<1x128xi32, #tpu.memory_space<vmem>> -> memref<128xi32, #tpu.memory_space<vmem>>
        %dma_start3A_213 = arith.constant 0 : i32
        %dma_start3A_214 = arith.constant 0 : i32
        %dma_start3A_215 = tpu.memref_slice %arg3[%dma_start3A_213, %dma_start3A_214] : memref<1000000x128xf32, #tpu.memory_space<hbm>> -> memref<1000000x128xf32, #tpu.memory_space<hbm>>
        tpu.enqueue_indirect_dma source(%dma_start3A_215 : memref<1000000x128xf32, #tpu.memory_space<hbm>>) target(%arg7 : memref<128x128xf32, #tpu.memory_space<vmem>>) offsets(%dma_start3A_212 : memref<128xi32, #tpu.memory_space<vmem>>) semaphore(%arg12 : memref<!tpu.dma_semaphore, #tpu.memory_space<semaphore_mem>>)
      } else {
      }
      %scan3A_205 = arith.constant 0 : i32
      scf.yield %scan3A_205 : i32
    }
    %scan3A_21 = arith.constant 10 : i32
    %add3A_22 = arith.constant 47 : i32
    %add3A_23 = arith.addi %mul3A_2, %add3A_22 : i32
    %dma_wait3A = arith.constant 0 : i32
    %dma_wait3A_24 = arith.constant 0 : i32
    %dma_wait3A_25 = tpu.memref_slice %arg4[%add3A_23, %dma_wait3A, %dma_wait3A_24] : memref<1600x128x128xf32, #tpu.memory_space<hbm>> -> memref<1x128x128xf32, #tpu.memory_space<hbm>>
    %dma_wait3A_26 = tpu.memref_squeeze %dma_wait3A_25 : memref<1x128x128xf32, #tpu.memory_space<hbm>> -> memref<128x128xf32, #tpu.memory_space<hbm>>
    %dma_wait3A_27 = arith.constant 0 : i32
    %dma_wait3A_28 = arith.constant 0 : i32
    %dma_wait3A_29 = tpu.memref_slice %arg4[%add3A_23, %dma_wait3A_27, %dma_wait3A_28] : memref<1600x128x128xf32, #tpu.memory_space<hbm>> -> memref<1x128x128xf32, #tpu.memory_space<hbm>>
    %dma_wait3A_30 = tpu.memref_squeeze %dma_wait3A_29 : memref<1x128x128xf32, #tpu.memory_space<hbm>> -> memref<128x128xf32, #tpu.memory_space<hbm>>
    tpu.wait_dma2 semaphore(%arg18 : memref<!tpu.dma_semaphore, #tpu.memory_space<semaphore_mem>>) src(%arg8 : memref<128x128xf32, #tpu.memory_space<vmem>>) dst(%dma_wait3A_30 : memref<128x128xf32, #tpu.memory_space<hbm>>)
    %add3A_31 = arith.constant 48 : i32
    %add3A_32 = arith.addi %mul3A_2, %add3A_31 : i32
    %dma_wait3A_33 = arith.constant 0 : i32
    %dma_wait3A_34 = arith.constant 0 : i32
    %dma_wait3A_35 = tpu.memref_slice %arg4[%add3A_32, %dma_wait3A_33, %dma_wait3A_34] : memref<1600x128x128xf32, #tpu.memory_space<hbm>> -> memref<1x128x128xf32, #tpu.memory_space<hbm>>
    %dma_wait3A_36 = tpu.memref_squeeze %dma_wait3A_35 : memref<1x128x128xf32, #tpu.memory_space<hbm>> -> memref<128x128xf32, #tpu.memory_space<hbm>>
    %dma_wait3A_37 = arith.constant 0 : i32
    %dma_wait3A_38 = arith.constant 0 : i32
    %dma_wait3A_39 = tpu.memref_slice %arg4[%add3A_32, %dma_wait3A_37, %dma_wait3A_38] : memref<1600x128x128xf32, #tpu.memory_space<hbm>> -> memref<1x128x128xf32, #tpu.memory_space<hbm>>
    %dma_wait3A_40 = tpu.memref_squeeze %dma_wait3A_39 : memref<1x128x128xf32, #tpu.memory_space<hbm>> -> memref<128x128xf32, #tpu.memory_space<hbm>>
    tpu.wait_dma2 semaphore(%arg19 : memref<!tpu.dma_semaphore, #tpu.memory_space<semaphore_mem>>) src(%arg9 : memref<128x128xf32, #tpu.memory_space<vmem>>) dst(%dma_wait3A_40 : memref<128x128xf32, #tpu.memory_space<hbm>>)
    %add3A_41 = arith.constant 49 : i32
    %add3A_42 = arith.addi %mul3A_2, %add3A_41 : i32
    %dma_wait3A_43 = arith.constant 0 : i32
    %dma_wait3A_44 = arith.constant 0 : i32
    %dma_wait3A_45 = tpu.memref_slice %arg4[%add3A_42, %dma_wait3A_43, %dma_wait3A_44] : memref<1600x128x128xf32, #tpu.memory_space<hbm>> -> memref<1x128x128xf32, #tpu.memory_space<hbm>>
    %dma_wait3A_46 = tpu.memref_squeeze %dma_wait3A_45 : memref<1x128x128xf32, #tpu.memory_space<hbm>> -> memref<128x128xf32, #tpu.memory_space<hbm>>
    %dma_wait3A_47 = arith.constant 0 : i32
    %dma_wait3A_48 = arith.constant 0 : i32
    %dma_wait3A_49 = tpu.memref_slice %arg4[%add3A_42, %dma_wait3A_47, %dma_wait3A_48] : memref<1600x128x128xf32, #tpu.memory_space<hbm>> -> memref<1x128x128xf32, #tpu.memory_space<hbm>>
    %dma_wait3A_50 = tpu.memref_squeeze %dma_wait3A_49 : memref<1x128x128xf32, #tpu.memory_space<hbm>> -> memref<128x128xf32, #tpu.memory_space<hbm>>
    tpu.wait_dma2 semaphore(%arg20 : memref<!tpu.dma_semaphore, #tpu.memory_space<semaphore_mem>>) src(%arg10 : memref<128x128xf32, #tpu.memory_space<vmem>>) dst(%dma_wait3A_50 : memref<128x128xf32, #tpu.memory_space<hbm>>)
    return
  }
}

</mosaic_0001>

<sc_bundles>
// kernel: kernel.3.cloned.1.call-start
scs
__scs_entry_jumppad:
0x0: {  	(pc) =	sbr.rel $0x88, $3  }
0x1: {  	(tag) =	ssettag $0x0;
	lr =	simm.s32 $0x1  }
0x2: {  	[smem:$0x3F9F] =	sst lr;
	_ =	strace $0xD0000000  }
0x3: {  	_ = 	snop  }
0x4: {  	_ = 	snop  }
0x5: {  	_ = 	snop  }
0x6: {  	_ = 	snop  }
0x7: {  	_ = 	snop  }
__scs_overlays_trampoline_lowered:
0x8: {  	[smem:$0x3FAE] =	sst s0  }
0x9: {  	[smem:$0x3FAF] =	sst s1  }
0xa: {  	[smem:$0x3FB0] =	sst s2  }
0xb: {  	[smem:$0x3FB1] =	sst s3  }
0xc: {  	[smem:$0x3FB2] =	sst s4  }
0xd: {  	[smem:$0x3FB3] =	sst s5  }
0xe: {  	[smem:$0x3FB4] =	sst s6  }
0xf: {  	[smem:$0x3FB5] =	sst s7  }
0x10: {  	[smem:$0x3FB6] =	sst s8  }
0x11: {  	[smem:$0x3FB7] =	sst s9;
	s0 =	simm.s32 @!p0 $0x0  }
0x12: {  	s1 =	sld [smem:$0x3F9D];
	s0 =	simm.s32 @p0 $0x1  }
0x13: {  	[smem:$0x3FB8] =	sst s0;
	s0 =	simm.s32 @!p1 $0x0  }
0x14: {  	s2 =	sld [smem:$0x3F9C];
	s0 =	simm.s32 @p1 $0x1  }
0x15: {  	[smem:$0x3FB9] =	sst s0;
	s0 =	simm.s32 @!p2 $0x0  }
0x16: {  	s3 =	sld [smem:$0x3FDB];
	s0 =	simm.s32 @p2 $0x1  }
0x17: {  	s4 =	simm.s32 $0x1BF5;
	[smem:$0x3FBB] =	sst s0  }
0x18: {  	s0 =	sld [smem:$0x3F9E];
	_ =	swait.ge [sflag:s4], $0x0  }
0x19: {  	s7 =	sld [smem:$0x3F9F]  }
0x1a: {  	s8 =	sadd.s32 $0xFFFFE003, lr  }
0x1b: {  	s9 =	sadd.s32 $0xFFFFFEF7, lr;
	s5 =	simm.s32 $0xFFFFFFFF;
	p2 =	slt.u32 s8, $0xFFFFF086  }
0x1c: {  	p1 =	slt.u32 s9, $0xF7A;
	s5 =	simm.s32 @!p2 $0x0  }
0x1d: {  	s5 =	simm.s32 @p1 $0x1;
	p0 =	seq.s32 s7, s2  }
0x1e: {  	s7 =	smul.u32 @!p0 $0xF7A, s2;
	p2 =	seq.s32 @!p0 s5, $0x0  }
0x1f: {  	s9 =	smul.u32 $0xF7A, s1;
	s8 =	simm.s32 @!p0 $0x1BF5;
	p2 =	por !p2, p0  }
0x20: {  	[sflag:s8] =	ssyncset.s32 @!p0 $0xFFFFF086;
	s6 =	sadd.s32 @!p0 s3, s7;
	s7 =	simm.s32 @!p0 $0x108  }
0x21: {  	s3 =	sadd.s32 s3, s9;
	s6 =	sadd.s32 @!p0 $0x88, s6;
	s7 =	simm.s32 @p2 $0x1082  }
0x22: {  	[simem:s7], [sflag:s8] =	dma.local @!p0 [hbm:s6], $0xF7A  }
0x23: {  	s9 =	sor.u32 $0xD0000000, s2;
	s6 =	simm.s32 $0x108;
	_ =	swait.ge @!p0 [sflag:s8], $0x0  }
0x24: {  	s3 =	sadd.s32 $0x88, s3;
	s6 =	simm.s32 @!p1 $0x1082;
	[sflag:s4] =	ssyncset.s32 $0xFFFFF086  }
0x25: {  	[simem:s6], [sflag:s4] =	dma.local [hbm:s3], $0xF7A  }
0x26: {  	[smem:$0x3F9F] =	sst s1;
	(tag) =	ssettag s2;
	_ =	strace s9  }
0x27: {  	s1 =	sld [smem:$0x3FAF]  }
0x28: {  	s2 =	sld [smem:$0x3FB0]  }
0x29: {  	s4 =	sld [smem:$0x3FB2]  }
0x2a: {  	p0 =	seq.s32 s5, $0x0;
	s5 =	sld [smem:$0x3FB3]  }
0x2b: {  	s6 =	sld [smem:$0x3FB4]  }
0x2c: {  	s7 =	sld [smem:$0x3FB5]  }
0x2d: {  	s3 =	simm.s32 $0x108;
	s8 =	sld [smem:$0x3FB6]  }
0x2e: {  	s3 =	simm.s32 @!p0 $0x1082;
	s9 =	sld [smem:$0x3FB7]  }
0x2f: {  	lr =	sadd.s32 s0, s3;
	s0 =	sld [smem:$0x3FAE]  }
0x30: {  	s3 =	sld [smem:$0x3FB1]  }
0x31: {  	[smem:$0x3FBA] =	sst s10  }
0x32: {  	s10 =	sld [smem:$0x3FB8];
	_ =	sdelay $0x3  }
0x33: {  	p0 =	seq.s32 s10, $0x1;
	s10 =	sld [smem:$0x3FBA];
	_ =	sdelay $0x3  }
0x34: {  	[smem:$0x3FBA] =	sst s10  }
0x35: {  	s10 =	sld [smem:$0x3FB9];
	_ =	sdelay $0x3  }
0x36: {  	p1 =	seq.s32 s10, $0x1;
	s10 =	sld [smem:$0x3FBA];
	_ =	sdelay $0x3  }
0x37: {  	[smem:$0x3FBA] =	sst s10  }
0x38: {  	s10 =	sld [smem:$0x3FBB]  }
0x39: {  	_ = 	snop;
	(pc) =	sbr.ind lr, $3  }
0x3a: {  	_ = 	snop  }
0x3b: {  	_ = 	snop  }
0x3c: {  	p2 =	seq.s32 s10, $0x1;
	s10 =	sld [smem:$0x3FBA]  }
0x3d: {  	_ =	shalt  }
0x3e: {  	_ =	shalt  }
0x3f: {  	_ =	shalt  }
0x40: {  	_ =	shalt  }
0x41: {  	_ =	shalt  }
0x42: {  	_ =	shalt  }
0x43: {  	_ =	shalt  }
0x44: {  	_ =	shalt  }
0x45: {  	_ =	shalt  }
0x46: {  	_ =	shalt  }
0x47: {  	_ =	shalt  }
0x48: {  	_ =	shalt  }
0x49: {  	_ =	shalt  }
0x4a: {  	_ =	shalt  }
0x4b: {  	_ =	shalt  }
0x4c: {  	_ =	shalt  }
0x4d: {  	_ =	shalt  }
0x4e: {  	_ =	shalt  }
0x4f: {  	_ =	shalt  }
0x50: {  	_ =	shalt  }
0x51: {  	_ =	shalt  }
0x52: {  	_ =	shalt  }
0x53: {  	_ =	shalt  }
0x54: {  	_ =	shalt  }
0x55: {  	_ =	shalt  }
0x56: {  	_ =	shalt  }
0x57: {  	_ =	shalt  }
0x58: {  	_ =	shalt  }
0x59: {  	_ =	shalt  }
0x5a: {  	_ =	shalt  }
0x5b: {  	_ =	shalt  }
0x5c: {  	_ =	shalt  }
0x5d: {  	_ =	shalt  }
0x5e: {  	_ =	shalt  }
0x5f: {  	_ =	shalt  }
0x60: {  	_ =	shalt  }
0x61: {  	_ =	shalt  }
0x62: {  	_ =	shalt  }
0x63: {  	_ =	shalt  }
0x64: {  	_ =	shalt  }
0x65: {  	_ =	shalt  }
0x66: {  	_ =	shalt  }
0x67: {  	_ =	shalt  }
0x68: {  	_ =	shalt  }
0x69: {  	_ =	shalt  }
0x6a: {  	_ =	shalt  }
0x6b: {  	_ =	shalt  }
0x6c: {  	_ =	shalt  }
0x6d: {  	_ =	shalt  }
0x6e: {  	_ =	shalt  }
0x6f: {  	_ =	shalt  }
0x70: {  	_ =	shalt  }
0x71: {  	_ =	shalt  }
0x72: {  	_ =	shalt  }
0x73: {  	_ =	shalt  }
0x74: {  	_ =	shalt  }
0x75: {  	_ =	shalt  }
0x76: {  	_ =	shalt  }
0x77: {  	_ =	shalt  }
0x78: {  	_ =	shalt  }
0x79: {  	_ =	shalt  }
0x7a: {  	_ =	shalt  }
0x7b: {  	_ =	shalt  }
0x7c: {  	_ =	shalt  }
0x7d: {  	_ =	shalt  }
0x7e: {  	_ =	shalt  }
0x7f: {  	_ =	shalt  }
0x80: {  	_ =	shalt  }
0x81: {  	_ =	shalt  }
0x82: {  	_ =	shalt  }
0x83: {  	_ =	shalt  }
0x84: {  	_ =	shalt  }
0x85: {  	_ =	shalt  }
0x86: {  	_ =	shalt  }
0x87: {  	_ =	shalt  }
.Lfunc_end0:
.L_simem_size_0:
called_computation_lowered:
.L_overlay_start_0:
0x88: {  	s2 =	sld [smem:$0x3FD9]  }
0x89: {  	s3 =	sld [smem:$0x3FFE];
	_ =	sdelay $0x1  }
0x8a: {  	s1 =	srdreg.scid  }
0x8b: {  	s0 =	sand.u32 $0x1, s1  }
0x8c: {  	s17 =	sshll.u32 s0, $0xA;
	s2 =	sadd.s32 s3, s2  }
0x8d: {  	s2 =	sadd.s32 s2, s17  }
0x8e: {  	[smem:$0x3FC6] =	sst s2  }
0x8f: {  	_ = 	snop  }
0x90: {  	s2 =	sld [smem:$0x3FC8]  }
0x91: {  	s18 =	sld [smem:$0x3FD0];
	(tm) =	ssettm $0x1  }
0x92: {  	s4 =	sld [smem:$0x3FFB];
	_ =	sdelay $0x3  }
0x93: {  	_ =	strace s4  }
0x94: {  	s4 =	sld [smem:$0x3FFC];
	_ =	sdelay $0x3  }
0x95: {  	_ =	strace s4  }
0x96: {  	s4 =	sld [smem:$0x3FFD];
	_ =	sdelay $0x3  }
0x97: {  	_ =	strace s4  }
0x98: {  	_ =	strace $0x8FFFFFFF  }
0x99: {  	s19 =	sld [smem:$0x3FDB];
	_ =	sdelay $0x1  }
0x9a: {  	s5 =	simm.s32 $_scs_section_size  }
0x9b: {  	s6 =	simm.s32 $_size__tile_overlayer_lowered;
	s7 =	simm.s32 $_tile_overlayer_lowered  }
0x9c: {  	s22 =	simm.s32 $0x1BFF;
	s21 =	sshll.u32 s7, $0x1;
	s4 =	sadd.s32 s5, s19  }
0x9d: {  	s8 =	simm.s32 $0x0;
	s20 =	sshll.u32 s6, $0x1;
	s6 =	sadd.s32 s21, s4  }
0x9e: {  	[timem:s8], [sflag:s22] =	dma.local [hbm:s6], s20  }
0x9f: {  	_ =	swait.ge [sflag:s22], s20  }
0xa0: {  	s5 =	ssub.s32 $0x0, s20;
	[sflag:s22] =	ssyncset.done $0x0  }
0xa1: {  	[sflag:s22] =	ssyncadd.s32 s5;
	_ =	sdelay $0x1  }
0xa2: {  	s23 =	simm.s32 $0x1B8B  }
0xa3: {  	_ =	swait.ge [sflag:s23], $0x1  }
0xa4: {  	[sflag:s23] =	ssyncset.done $0x0  }
0xa5: {  	s25 =	simm.s32 $0x1B8E;
	s24 =	sld [smem:$0x3FFE];
	[sflag:s23] =	ssyncadd.s32 $0xFFFFFFFF  }
0xa6: {  	s26 =	simm.s32 $execute0_lowered;
	[smem:$0x3FD2] =	sst s25  }
0xa7: {  	s6 =	sshll.u32 s26, $0x1;
	_ =	strace $0x80000046;
	[dreg:$0x1] =	wrdreg $0xFFFFFFFF  }
0xa8: {  	s28 =	simm.s32 $_size_execute0_lowered;
	s4 =	sadd.s32 s4, s6;
	[dreg:$0x0] =	wrdreg $0x0  }
0xa9: {  	s6 =	sshll.u32 s28, $0x1;
	[dreg:$0x2] =	wrdreg s4  }
0xaa: {  	[dreg:$0x3] =	wrdreg s6  }
0xab: {  	[dreg:$0x4] =	wrdreg $0xC0  }
0xac: {  	_ =	task [dreg:s8], $0x5FFFF  }
0xad: {  	[dreg:$0x1] =	wrdreg $0xFFFFFFFF  }
0xae: {  	[dreg:$0x0] =	wrdreg $0x60  }
0xaf: {  	[dreg:$0x2] =	wrdreg s24  }
0xb0: {  	[dreg:$0x3] =	wrdreg s2  }
0xb1: {  	[dreg:$0x4] =	wrdreg s18  }
0xb2: {  	[dreg:$0x5] =	wrdreg $0x9  }
0xb3: {  	_ =	task.clear_ibuf [dreg:s8], $0x6FFFF;
	_ =	strace $0x90000046  }
0xb4: {  	s29 =	simm.s32 $0x9;
	_ =	strace $0x80000048  }
0xb5: {  	_ =	swait.ge [sflag:s29], $0x1  }
0xb6: {  	[sflag:s29] =	ssyncadd.s32 $0xFFFFFFFF  }
0xb7: {  	_ =	strace $0x90000048  }
0xb8: {  	_ =	sfence  }
0xb9: {  	s30 =	sld [smem:$0x0];
	_ =	sdelay $0x2  }
0xba: {  	s31 =	sshll.u32 s1, $0xD;
	s1 =	sshrl.u32 s1, $0x2  }
0xbb: {  	s3 =	sand.u32 $0x4000, s31;
	s1 =	sadd.s32 s1, s30  }
0xbc: {  	s0 =	sor.u32 s3, s0;
	s1 =	sshll.u32 s1, $0x11  }
0xbd: {  	s0 =	sor.u32 s1, s0  }
0xbe: {  	s0 =	sadd.s32 $0x8F2B, s0  }
0xbf: {  	[sflag:s0] =	ssyncadd.remote.s32 $0x1  }
0xc0: {  	_ =	sfence.sel $0xFFFF  }
0xc1: {  	[dreg:$0x0] =	wrdreg $0xFFFFFFFF;
	(pc) =	sbr.abs _section_cstart, $3  }
0xc2: {  	[dreg:$0x1] =	wrdreg $0xFFFFFFFF  }
0xc3: {  	_ =	task.clear_ibuf [dreg:s8], $0x2FFFF;
	_ =	strace $0x9FFFFFFF  }
0xc4: {  	(tm) =	ssettm $0x7FFFFFFF  }
0xc5: {  	_ =	shalt  }
tec
execute0_lowered:
.L_overlay_start_1:
0x0: {  	(tag) =	ssettag $0x1  }
0x1: {  	s1 =	rddreg [dreg:$0x0]  }
0x2: {  	s0 =	srdreg.scid;
	s2 =	rddreg [dreg:$0x1]  }
0x3: {  	s9 =	stileid.u32;
	s4 =	rddreg [dreg:$0x2]  }
0x4: {  	s10 =	simm.s32 $0xB;
	s11 =	simm.s32 $0x80;
	s12 =	simm.s32 $0x1C00  }
0x5: {  	s13 =	simm.s32 $0x5C00;
	s14 =	simm.s32 $0x1;
	s15 =	simm.s32 $0x9C00  }
0x6: {  	s16 =	simm.s32 $0x2;
	s17 =	simm.s32 $0xDC00;
	s18 =	simm.s32 $0x3  }
0x7: {  	s19 =	simm.s32 $0x11C00;
	s20 =	simm.s32 $0x4;
	s21 =	simm.s32 $0x6  }
0x8: {  	s22 =	simm.s32 $0x5;
	s23 =	simm.s32 $0x7;
	s6 =	smul.u32 $0x64, s9  }
0x9: {  	s0 =	sand.u32 $0x1, s0;
	s3 =	sshll.u32 s9, $0x1;
	s26 =	smul.u32 $0x32000, s9  }
0xa: {  	s24 =	simm.s32 $0x8;
	s3 =	sor.u32 s0, s3;
	s7 =	smul.u32 $0x32, s0  }
0xb: {  	s28 =	simm.s32 $0x0;
	s5 =	smul.u32 $0x380, s3;
	s3 =	simm.s32 $0x0  }
0xc: {  	s8 =	ssub.s32 $0x2, s0;
	s0 =	smul.u32 $0x19000, s0;
	[smem:$0x7FF] =	sst s3  }
0xd: {  	s25 =	sshrl.u32 s8, $0x1;
	s6 =	sadd.s32 s7, s6;
	_ =	strace $0x80000047  }
0xe: {  	s1 =	sadd.s32 s5, s1;
	s5 =	ssub.s32 s8, s25;
	s6 =	sshll.u32 s6, $0xB  }
.Ltmp0:
0xf: {  	s25 =	simm.s32 $0x9;
	s1 =	sadd.s32 $0x400, s1;
	(pc) =	sbr.rel .LBB2_1-.Ltmp0, $4  }
0x10: {  	s6 =	sadd.s32 s6, s4;
	s29 =	smax.u32 s5, $0x1;
	[dreg:$0x4] =	wrdreg s1  }
0x11: {  	s4 =	sadd.s32 s26, s4;
	[dreg:$0x5] =	wrdreg s29;
	s30 =	sadd.s32 $0x800, s6  }
0x12: {  	s26 =	simm.s32 $0xA;
	s31 =	sadd.s32 $0x2000, s6;
	[dreg:$0x6] =	wrdreg s30  }
0x13: {  	s8 =	sadd.s32 $0x1800, s6;
	s9 =	sadd.s32 s0, s4;
	[dreg:$0x7] =	wrdreg s31  }
.LBB2_4:
0x14: {  	_ =	swait.ge [sflag:s24], $0x4000  }
0x15: {  	[sflag:s24] =	ssyncset.done $0x0  }
0x16: {  	[sflag:s24] =	ssyncadd.s32 $0xFFFFC000  }
0x17: {  	_ =	swait.ge [sflag:s25], $0x4000  }
0x18: {  	[sflag:s25] =	ssyncset.done $0x0  }
0x19: {  	[sflag:s25] =	ssyncadd.s32 $0xFFFFC000  }
0x1a: {  	_ =	swait.ge [sflag:s26], $0x4000  }
0x1b: {  	s28 =	sadd.s32 $0x1, s28;
	s0 =	rddreg [dreg:$0x5]  }
0x1c: {  	p0 =	sne.s32 s28, s0  }
.Ltmp1:
0x1d: {  	_ = 	snop;
	(pc) =	sbr.rel @!p0 .LBB2_5-.Ltmp1, $3  }
0x1e: {  	_ =	sdelay $0x1  }
0x1f: {  	[sflag:s26] =	ssyncset.done $0x0  }
0x20: {  	[sflag:s26] =	ssyncadd.s32 $0xFFFFC000  }
.LBB2_1:
0x21: {  	s0 =	rddreg [dreg:$0x4]  }
0x22: {  	[tilespmem:s3], [sflag:$0xB] =	stream.linear.gather [hbm4b:s0+s3], $0x1900, $0x38;
	[tilespmem:$0x15C00] =	vst v63  }
0x23: {  	_ =	swait.ge [sflag:s10], $0x1900  }
0x24: {  	[sflag:s10] =	ssyncset.done $0x0  }
0x25: {  	s29 =	smov.u32 s9;
	s31 =	rddreg [dreg:$0x7];
	[sflag:s10] =	ssyncadd.s32 $0xFFFFE700  }
0x26: {  	[tilespmem:s12], [sflag:$0x1] =	stream.indirect.gather [hbm4b:s2+s11], $0x80, s3, s11, $0xb8;
	[tilespmem:$0x15C00] =	vst v63  }
0x27: {  	s30 =	smov.u32 s8;
	s0 =	simm.s32 $0x0;
	s6 =	rddreg [dreg:$0x6]  }
0x28: {  	[tilespmem:s13], [sflag:$0x2] =	stream.indirect.gather [hbm4b:s2+s11], $0x80, s11, s11, $0xb8;
	[tilespmem:$0x15C00] =	vst v63  }
.LBB2_2:
0x29: {  	_ =	swait.ge [sflag:s14], $0x4000  }
0x2a: {  	p0 =	seq.s32 s0, $0x0;
	[sflag:s14] =	ssyncset.done $0x0  }
0x2b: {  	s5 =	simm.s32 @!p0 $0x8;
	[sflag:s14] =	ssyncadd.s32 $0xFFFFC000  }
0x2c: {  	[hbm4b:s29+s3] =	stream.linear.scatter [tilespmem:s12], [sflag:$0x6], $0x4000, $0x38;
	[tilespmem:$0x15C00] =	vst v63  }
0x2d: {  	_ =	swait.ge @!p0 [sflag:s5], $0x4000  }
0x2e: {  	s4 =	sshra.s32 s0, $0x2;
	[sflag:s5] =	ssyncset.done @!p0 $0x0  }
0x2f: {  	s1 =	sadd.s32 $0x100, s4;
	[sflag:s5] =	ssyncadd.s32 @!p0 $0xFFFFC000  }
0x30: {  	[tilespmem:s15], [sflag:$0x3] =	stream.indirect.gather [hbm4b:s2+s11], $0x80, s1, s11, $0xb8;
	[tilespmem:$0x15C00] =	vst v63  }
0x31: {  	_ =	swait.ge [sflag:s16], $0x4000  }
0x32: {  	[sflag:s16] =	ssyncset.done $0x0  }
0x33: {  	s5 =	simm.s32 @!p0 $0x9;
	[sflag:s16] =	ssyncadd.s32 $0xFFFFC000  }
0x34: {  	[hbm4b:s6+s3] =	stream.linear.scatter [tilespmem:s13], [sflag:$0x7], $0x4000, $0x38;
	[tilespmem:$0x15C00] =	vst v63  }
0x35: {  	_ =	swait.ge @!p0 [sflag:s5], $0x4000  }
0x36: {  	[sflag:s5] =	ssyncset.done @!p0 $0x0  }
0x37: {  	s7 =	sadd.s32 $0x180, s4;
	[sflag:s5] =	ssyncadd.s32 @!p0 $0xFFFFC000  }
0x38: {  	[tilespmem:s17], [sflag:$0x4] =	stream.indirect.gather [hbm4b:s2+s11], $0x80, s7, s11, $0xb8;
	[tilespmem:$0x15C00] =	vst v63  }
0x39: {  	_ =	swait.ge [sflag:s18], $0x4000  }
0x3a: {  	[sflag:s18] =	ssyncset.done $0x0  }
0x3b: {  	s1 =	sadd.s32 $0xFFFFF800, s30;
	s5 =	simm.s32 @!p0 $0xA;
	[sflag:s18] =	ssyncadd.s32 $0xFFFFC000  }
0x3c: {  	[hbm4b:s1+s3] =	stream.linear.scatter [tilespmem:s15], [sflag:$0x8], $0x4000, $0x38;
	[tilespmem:$0x15C00] =	vst v63  }
0x3d: {  	_ =	swait.ge @!p0 [sflag:s5], $0x4000  }
0x3e: {  	[sflag:s5] =	ssyncset.done @!p0 $0x0  }
0x3f: {  	s7 =	sadd.s32 $0x200, s4;
	[sflag:s5] =	ssyncadd.s32 @!p0 $0xFFFFC000  }
0x40: {  	[tilespmem:s19], [sflag:$0x5] =	stream.indirect.gather [hbm4b:s2+s11], $0x80, s7, s11, $0xb8;
	[tilespmem:$0x15C00] =	vst v63  }
0x41: {  	_ =	swait.ge [sflag:s20], $0x4000  }
0x42: {  	[sflag:s20] =	ssyncset.done $0x0  }
0x43: {  	[sflag:s20] =	ssyncadd.s32 $0xFFFFC000  }
0x44: {  	[hbm4b:s30+s3] =	stream.linear.scatter [tilespmem:s17], [sflag:$0x9], $0x4000, $0x38;
	[tilespmem:$0x15C00] =	vst v63  }
0x45: {  	p0 =	seq.s32 s0, $0x5A00;
	_ =	swait.ge [sflag:s21], $0x4000  }
0x46: {  	s5 =	sshra.s32 @!p0 s0, $0x2;
	s1 =	simm.s32 @!p0 $0x80;
	[sflag:s21] =	ssyncset.done $0x0  }
0x47: {  	s7 =	simm.s32 @!p0 $0x1C00;
	s5 =	sadd.s32 @!p0 $0x280, s5;
	[sflag:s21] =	ssyncadd.s32 $0xFFFFC000  }
0x48: {  	[tilespmem:s7], [sflag:$0x1] =	stream.indirect.gather @!p0 [hbm4b:s2+s1], $0x80, s5, s1, $0xb8;
	[tilespmem:$0x15C00] =	vst v63  }
0x49: {  	_ =	swait.ge [sflag:s22], $0x4000  }
0x4a: {  	[sflag:s22] =	ssyncset.done $0x0  }
.Ltmp2:
0x4b: {  	[sflag:s22] =	ssyncadd.s32 $0xFFFFC000;
	(pc) =	sbr.rel @p0 .LBB2_4-.Ltmp2, $4  }
0x4c: {  	[hbm4b:s31+s3] =	stream.linear.scatter [tilespmem:s19], [sflag:$0xA], $0x4000, $0x38;
	[tilespmem:$0x15C00] =	vst v63  }
0x4d: {  	_ =	swait.ge [sflag:s23], $0x4000  }
0x4e: {  	[sflag:s23] =	ssyncset.done $0x0  }
0x4f: {  	[sflag:s23] =	ssyncadd.s32 $0xFFFFC000  }
.Ltmp3:
0x50: {  	(pc) =	sbr.rel .LBB2_2-.Ltmp3, $4  }
0x51: {  	_ = 	snop  }
0x52: {  	s1 =	sadd.s32 $0x300, s4;
	s0 =	sadd.s32 $0xA00, s0;
	s6 =	sadd.s32 $0x2800, s6  }
0x53: {  	s31 =	sadd.s32 $0x2800, s31;
	s30 =	sadd.s32 $0x2800, s30;
	s29 =	sadd.s32 $0x2800, s29  }
0x54: {  	[tilespmem:s13], [sflag:$0x2] =	stream.indirect.gather [hbm4b:s2+s11], $0x80, s1, s11, $0xb8;
	[tilespmem:$0x15C00] =	vst v63  }
.LBB2_5:
0x55: {  	_ =	sfence.sel $0x180000  }
0x56: {  	[bflag:$0x0] =	sbarrier.arrive $0xFFFF  }
0x57: {  	_ =	strace $0x90000047  }
0x58: {  	s0 =	stileid.u32;
	[bflag:$0x2] =	sbarrier.arrive $0xFFFF  }
0x59: {  	p0 =	sne.s32 s0, $0x0;
	s0 =	rddreg [dreg:$0x3]  }
0x5a: {  	s0 =	sadd.s32 @!p0 $0x100000, s0  }
0x5b: {  	[sflag:s0] =	ssyncadd.tile.s32 @!p0 $0x1;
	_ =	shalt  }
.Lfunc_end2:
_tile_overlayer_lowered:
.L_overlay_start_2:
0x5c: {  	(tag) =	ssettag $0x2  }
0x5d: {  	s0 =	rddreg [dreg:$0x0];
	s2 =	stileid.u32  }
0x5e: {  	s1 =	rddreg [dreg:$0x1];
	p0 =	sne.s32 s2, $0x0  }
0x5f: {  	s3 =	rddreg [dreg:$0x2];
	[bflag:$0x3] =	sbarrier.arrive $0xFFFF;
	s2 =	simm.s32 @!p0 $0x1C0B  }
0x60: {  	[timem:s3], [sflag:s2] =	dma.local @!p0 [hbm:s0], s1  }
0x61: {  	s0 =	simm.s32 @!p0 $0xB  }
0x62: {  	_ =	swait.ge @!p0 [sflag:s0], s1  }
0x63: {  	s1 =	ssub.s32 @!p0 $0x0, s1;
	[sflag:s0] =	ssyncset.done @!p0 $0x0  }
0x64: {  	[sflag:s0] =	ssyncadd.s32 @!p0 s1  }
0x65: {  	[bflag:$0x3] =	sbarrier.arrive $0xFFFF  }
0x66: {  	_ =	shalt  }

</sc_bundles>
